<compile_context>
chip_gen: v7x
topology: tpu7x:2x2x1
jax: 0.10.2.dev20260603
libtpu: 0.0.44.dev20260713+nightly
codegen_flags: <defaults>
</compile_context>

<pallas_src>
import functools

import jax
import jax.numpy as jnp
from jax import lax
from jax.experimental import pallas as pl
from jax.experimental.pallas import tpu as pltpu
from jax.experimental.pallas import tpu_sc as plsc

_FEAT_DIM = 128
_BATCH = 4096
_LAMBDA_C = 1.0
_LANES = 16

_info = plsc.get_sparse_core_info()
_NC, _NS = _info.num_cores, _info.num_subcores
_NW = _NC * _NS
_BPW = _BATCH // _NW
_CHUNKS = (120, 8)


def _center_loss_partials(feat, label, centers):
  mesh = plsc.VectorSubcoreMesh(core_axis_name="c", subcore_axis_name="s")

  @functools.partial(
      pl.kernel,
      mesh=mesh,
      out_type=jax.ShapeDtypeStruct((_NW, _LANES), jnp.float32),
      scratch_types=[
          pltpu.VMEM((_BPW,), jnp.int32),
          pltpu.VMEM((_BPW, _FEAT_DIM), jnp.float32),
          pltpu.VMEM((_BPW, _FEAT_DIM), jnp.float32),
          pltpu.VMEM((_LANES,), jnp.float32),
          pltpu.SemaphoreType.DMA,
          pltpu.SemaphoreType.DMA,
          pltpu.SemaphoreType.DMA,
      ],
  )
  def k(feat_hbm, label_hbm, centers_hbm, out_hbm,
        idx_v, feat_v, rows_v, acc_v, fsem, gs0, gs1):
    wid = lax.axis_index("s") * _NC + lax.axis_index("c")
    fcopy = pltpu.async_copy(feat_hbm.at[wid], feat_v, fsem)
    pltpu.sync_copy(label_hbm.at[wid], idx_v)
    gsems = (gs0, gs1)
    bases = (0, _CHUNKS[0])
    gathers = [
        pltpu.async_copy(
            centers_hbm.at[idx_v.at[pl.ds(bases[c], _CHUNKS[c])]],
            rows_v.at[pl.ds(bases[c], _CHUNKS[c])], gsems[c])
        for c in range(2)
    ]
    fcopy.wait()

    acc = jnp.zeros((_LANES,), jnp.float32)
    for c in range(2):
      gathers[c].wait()
      base = bases[c]

      def body(r, a, base=base):
        for d in range(_FEAT_DIM // _LANES):
          x = feat_v[base + r, pl.ds(d * _LANES, _LANES)]
          y = rows_v[base + r, pl.ds(d * _LANES, _LANES)]
          diff = x - y
          a = a + diff * diff
        return a

      acc = lax.fori_loop(0, _CHUNKS[c], body, acc)

    acc_v[...] = acc
    pltpu.sync_copy(acc_v, out_hbm.at[wid])

  return k(feat, label, centers)


def kernel(feat, label, centers):
  label = label.astype(jnp.int32).reshape(_NW, _BPW)
  feat_r = feat.reshape(_NW, _BPW, _FEAT_DIM)
  partials = _center_loss_partials(feat_r, label, centers)
  return _LAMBDA_C / 2.0 / _BATCH * jnp.sqrt(jnp.sum(partials))

# --- scband reference (transcript-rebuilt; emitter-appended) ---
"""Pipeline reference for scband-center-loss-26620207301027 (READ-ONLY COPY).

The authoritative reference and input builder live on the scoring server;
editing this copy changes nothing except your own understanding.
"""

import jax, jax.numpy as jnp
import numpy as np

FEAT_DIM = 128
NUM_CLASSES = 100000
BATCH = 4096
LAMBDA_C = 1.0


def setup_inputs(seed: int = 0) -> dict:
    key = jax.random.key(seed)
    k1, k2, k3 = jax.random.split(key, 3)
    feat = jax.random.normal(k1, (BATCH, FEAT_DIM), dtype=jnp.float32)
    label = jax.random.randint(k2, (BATCH,), 0, NUM_CLASSES, dtype=jnp.int64)
    centers = jax.random.normal(k3, (NUM_CLASSES, FEAT_DIM), dtype=jnp.float32)
    return {"feat": feat, "label": label, "centers": centers}


def reference(feat, label, centers):
    # expanded_centers = centers.index_select(0, label)
    expanded_centers = jnp.take(centers, label, axis=0)
    # torch.Tensor.dist default p=2: Frobenius norm of (feat - expanded_centers)
    diff = feat - expanded_centers
    intra_distances = jnp.sqrt(jnp.sum(diff * diff))
    batch_size = feat.shape[0]
    loss = LAMBDA_C / 2.0 / batch_size * intra_distances
    return loss

if __name__ == "__main__":
    import jax
    _d = setup_inputs()
    print(jax.jit(kernel)(*tuple(_d.values())))

</pallas_src>

<mosaic_0001>
#map = affine_map<(d0, d1) -> (0, 0, 0)>
#map1 = affine_map<(d0, d1) -> (0, 0)>
module attributes {stable_mosaic.version = 14 : i64} {
  func.func @k(%arg0: i32, %arg1: i32, %arg2: memref<32x128x128xf32, #tpu.memory_space<hbm>>, %arg3: memref<32x128xi32, #tpu.memory_space<hbm>>, %arg4: memref<100000x128xf32, #tpu.memory_space<hbm>>, %arg5: memref<32x16xf32, #tpu.memory_space<hbm>>, %arg6: memref<128xi32, #tpu.memory_space<vmem>>, %arg7: memref<128x128xf32, #tpu.memory_space<vmem>>, %arg8: memref<128x128xf32, #tpu.memory_space<vmem>>, %arg9: memref<16xf32, #tpu.memory_space<vmem>>, %arg10: memref<!tpu.dma_semaphore, #tpu.memory_space<semaphore_mem>>, %arg11: memref<!tpu.dma_semaphore, #tpu.memory_space<semaphore_mem>>, %arg12: memref<!tpu.dma_semaphore, #tpu.memory_space<semaphore_mem>>) attributes {dimension_semantics = [#tpu.dimension_semantics<core_parallel>, #tpu.dimension_semantics<subcore_parallel>], iteration_bounds = array<i64: 2, 16>, scalar_prefetch = 0 : i64, scratch_operands = 7 : i64, tpu.core_type = #tpu.core_type<sc_vector_subcore>, window_params = [{transform_indices = #map}, {transform_indices = #map1}, {transform_indices = #map1}, {transform_indices = #map1}]} {
    %mul3A = arith.constant 2 : i32
    %mul3A_0 = arith.muli %arg1, %mul3A : i32
    %add3A = arith.addi %mul3A_0, %arg0 : i32
    %dma_start3A = arith.constant 0 : i32
    %dma_start3A_1 = arith.constant 0 : i32
    %dma_start3A_2 = tpu.memref_slice %arg2[%add3A, %dma_start3A, %dma_start3A_1] : memref<32x128x128xf32, #tpu.memory_space<hbm>> -> memref<1x128x128xf32, #tpu.memory_space<hbm>>
    %dma_start3A_3 = tpu.memref_squeeze %dma_start3A_2 : memref<1x128x128xf32, #tpu.memory_space<hbm>> -> memref<128x128xf32, #tpu.memory_space<hbm>>
    %dma_start3A_4 = arith.constant 0 : i32
    %dma_start3A_5 = arith.constant 0 : i32
    %dma_start3A_6 = tpu.memref_slice %arg2[%add3A, %dma_start3A_4, %dma_start3A_5] : memref<32x128x128xf32, #tpu.memory_space<hbm>> -> memref<1x128x128xf32, #tpu.memory_space<hbm>>
    %dma_start3A_7 = tpu.memref_squeeze %dma_start3A_6 : memref<1x128x128xf32, #tpu.memory_space<hbm>> -> memref<128x128xf32, #tpu.memory_space<hbm>>
    tpu.enqueue_dma source(%dma_start3A_7 : memref<128x128xf32, #tpu.memory_space<hbm>>) target(%arg7 : memref<128x128xf32, #tpu.memory_space<vmem>>) target_semaphore(%arg10 : memref<!tpu.dma_semaphore, #tpu.memory_space<semaphore_mem>>)
    "tpu.region"() ({
      %run_scoped3A = tpu.sem_alloc : memref<!tpu.dma_semaphore, #tpu.memory_space<semaphore_mem>>
      %dma_start3A_62 = arith.constant 0 : i32
      %dma_start3A_63 = tpu.memref_slice %arg3[%add3A, %dma_start3A_62] : memref<32x128xi32, #tpu.memory_space<hbm>> -> memref<1x128xi32, #tpu.memory_space<hbm>>
      %dma_start3A_64 = tpu.memref_squeeze %dma_start3A_63 : memref<1x128xi32, #tpu.memory_space<hbm>> -> memref<128xi32, #tpu.memory_space<hbm>>
      %dma_start3A_65 = arith.constant 0 : i32
      %dma_start3A_66 = tpu.memref_slice %arg3[%add3A, %dma_start3A_65] : memref<32x128xi32, #tpu.memory_space<hbm>> -> memref<1x128xi32, #tpu.memory_space<hbm>>
      %dma_start3A_67 = tpu.memref_squeeze %dma_start3A_66 : memref<1x128xi32, #tpu.memory_space<hbm>> -> memref<128xi32, #tpu.memory_space<hbm>>
      tpu.enqueue_dma source(%dma_start3A_67 : memref<128xi32, #tpu.memory_space<hbm>>) target(%arg6 : memref<128xi32, #tpu.memory_space<vmem>>) target_semaphore(%run_scoped3A : memref<!tpu.dma_semaphore, #tpu.memory_space<semaphore_mem>>)
      %dma_wait3A_68 = arith.constant 0 : i32
      %dma_wait3A_69 = tpu.memref_slice %arg3[%add3A, %dma_wait3A_68] : memref<32x128xi32, #tpu.memory_space<hbm>> -> memref<1x128xi32, #tpu.memory_space<hbm>>
      %dma_wait3A_70 = tpu.memref_squeeze %dma_wait3A_69 : memref<1x128xi32, #tpu.memory_space<hbm>> -> memref<128xi32, #tpu.memory_space<hbm>>
      %dma_wait3A_71 = arith.constant 0 : i32
      %dma_wait3A_72 = tpu.memref_slice %arg3[%add3A, %dma_wait3A_71] : memref<32x128xi32, #tpu.memory_space<hbm>> -> memref<1x128xi32, #tpu.memory_space<hbm>>
      %dma_wait3A_73 = tpu.memref_squeeze %dma_wait3A_72 : memref<1x128xi32, #tpu.memory_space<hbm>> -> memref<128xi32, #tpu.memory_space<hbm>>
      tpu.wait_dma2 semaphore(%run_scoped3A : memref<!tpu.dma_semaphore, #tpu.memory_space<semaphore_mem>>) src(%dma_wait3A_73 : memref<128xi32, #tpu.memory_space<hbm>>) dst(%arg6 : memref<128xi32, #tpu.memory_space<vmem>>)
      tpu.yield
    }) : () -> ()
    %dma_start3A_8 = arith.constant 0 : i32
    %dma_start3A_9 = arith.constant 0 : i32
    %dma_start3A_10 = tpu.memref_slice %arg8[%dma_start3A_8, %dma_start3A_9] : memref<128x128xf32, #tpu.memory_space<vmem>> -> memref<120x128xf32, #tpu.memory_space<vmem>>
    %dma_start3A_11 = arith.constant 0 : i32
    %dma_start3A_12 = tpu.memref_slice %arg6[%dma_start3A_11] : memref<128xi32, #tpu.memory_space<vmem>> -> memref<120xi32, #tpu.memory_space<vmem>>
    %dma_start3A_13 = arith.constant 0 : i32
    %dma_start3A_14 = arith.constant 0 : i32
    %dma_start3A_15 = tpu.memref_slice %arg4[%dma_start3A_13, %dma_start3A_14] : memref<100000x128xf32, #tpu.memory_space<hbm>> -> memref<100000x128xf32, #tpu.memory_space<hbm>>
    tpu.enqueue_indirect_dma source(%dma_start3A_15 : memref<100000x128xf32, #tpu.memory_space<hbm>>) target(%dma_start3A_10 : memref<120x128xf32, #tpu.memory_space<vmem>>) offsets(%dma_start3A_12 : memref<120xi32, #tpu.memory_space<vmem>>) semaphore(%arg11 : memref<!tpu.dma_semaphore, #tpu.memory_space<semaphore_mem>>)
    %dma_start3A_16 = arith.constant 120 : i32
    %dma_start3A_17 = arith.constant 0 : i32
    %dma_start3A_18 = tpu.memref_slice %arg8[%dma_start3A_16, %dma_start3A_17] : memref<128x128xf32, #tpu.memory_space<vmem>> -> memref<8x128xf32, #tpu.memory_space<vmem>>
    %dma_start3A_19 = arith.constant 120 : i32
    %dma_start3A_20 = tpu.memref_slice %arg6[%dma_start3A_19] : memref<128xi32, #tpu.memory_space<vmem>> -> memref<8xi32, #tpu.memory_space<vmem>>
    %dma_start3A_21 = arith.constant 0 : i32
    %dma_start3A_22 = arith.constant 0 : i32
    %dma_start3A_23 = tpu.memref_slice %arg4[%dma_start3A_21, %dma_start3A_22] : memref<100000x128xf32, #tpu.memory_space<hbm>> -> memref<100000x128xf32, #tpu.memory_space<hbm>>
    tpu.enqueue_indirect_dma source(%dma_start3A_23 : memref<100000x128xf32, #tpu.memory_space<hbm>>) target(%dma_start3A_18 : memref<8x128xf32, #tpu.memory_space<vmem>>) offsets(%dma_start3A_20 : memref<8xi32, #tpu.memory_space<vmem>>) semaphore(%arg12 : memref<!tpu.dma_semaphore, #tpu.memory_space<semaphore_mem>>)
    %dma_wait3A = arith.constant 0 : i32
    %dma_wait3A_24 = arith.constant 0 : i32
    %dma_wait3A_25 = tpu.memref_slice %arg2[%add3A, %dma_wait3A, %dma_wait3A_24] : memref<32x128x128xf32, #tpu.memory_space<hbm>> -> memref<1x128x128xf32, #tpu.memory_space<hbm>>
    %dma_wait3A_26 = tpu.memref_squeeze %dma_wait3A_25 : memref<1x128x128xf32, #tpu.memory_space<hbm>> -> memref<128x128xf32, #tpu.memory_space<hbm>>
    %dma_wait3A_27 = arith.constant 0 : i32
    %dma_wait3A_28 = arith.constant 0 : i32
    %dma_wait3A_29 = tpu.memref_slice %arg2[%add3A, %dma_wait3A_27, %dma_wait3A_28] : memref<32x128x128xf32, #tpu.memory_space<hbm>> -> memref<1x128x128xf32, #tpu.memory_space<hbm>>
    %dma_wait3A_30 = tpu.memref_squeeze %dma_wait3A_29 : memref<1x128x128xf32, #tpu.memory_space<hbm>> -> memref<128x128xf32, #tpu.memory_space<hbm>>
    tpu.wait_dma2 semaphore(%arg10 : memref<!tpu.dma_semaphore, #tpu.memory_space<semaphore_mem>>) src(%dma_wait3A_30 : memref<128x128xf32, #tpu.memory_space<hbm>>) dst(%arg7 : memref<128x128xf32, #tpu.memory_space<vmem>>)
    %broadcast_in_dim3A = arith.constant 0.000000e+00 : f32
    %broadcast_in_dim3A_31 = vector.broadcast %broadcast_in_dim3A : f32 to vector<16xf32>
    %dma_wait3A_32 = arith.constant 0 : i32
    %dma_wait3A_33 = arith.constant 0 : i32
    %dma_wait3A_34 = tpu.memref_slice %arg8[%dma_wait3A_32, %dma_wait3A_33] : memref<128x128xf32, #tpu.memory_space<vmem>> -> memref<120x128xf32, #tpu.memory_space<vmem>>
    %dma_wait3A_35 = arith.constant 0 : i32
    %dma_wait3A_36 = tpu.memref_slice %arg6[%dma_wait3A_35] : memref<128xi32, #tpu.memory_space<vmem>> -> memref<120xi32, #tpu.memory_space<vmem>>
    %dma_wait3A_37 = arith.constant 0 : i32
    %dma_wait3A_38 = arith.constant 0 : i32
    %dma_wait3A_39 = tpu.memref_slice %arg4[%dma_wait3A_37, %dma_wait3A_38] : memref<100000x128xf32, #tpu.memory_space<hbm>> -> memref<100000x128xf32, #tpu.memory_space<hbm>>
    tpu.wait_indirect_dma semaphore(%arg11 : memref<!tpu.dma_semaphore, #tpu.memory_space<semaphore_mem>>) src(%dma_wait3A_39 : memref<100000x128xf32, #tpu.memory_space<hbm>>) dst(%dma_wait3A_34 : memref<120x128xf32, #tpu.memory_space<vmem>>)
    %scan3A = arith.constant 0 : i32
    %scan3A_40 = arith.constant 120 : i32
    %scan3A_41 = arith.addi %scan3A, %scan3A_40 : i32
    %scan3A_42 = arith.constant 1 : i32
    %scan3A_43 = scf.for %scan3A_62 = %scan3A to %scan3A_41 step %scan3A_42 iter_args(%scan3A_63 = %broadcast_in_dim3A_31) -> (vector<16xf32>)  : i32 {
      %add3A_64 = arith.constant 0 : i32
      %add3A_65 = arith.addi %add3A_64, %scan3A_62 : i32
      %get3A = arith.index_cast %add3A_65 : i32 to index
      %get3A_66 = arith.constant 0 : index
      %get3A_67 = tpu.vector_load %arg7[%get3A, %get3A_66] {strides = array<i32>} : memref<128x128xf32, #tpu.memory_space<vmem>>, vector<1x16xf32>,
      %get3A_68 = vector.shape_cast %get3A_67 : vector<1x16xf32> to vector<16xf32>
      %add3A_69 = arith.constant 0 : i32
      %add3A_70 = arith.addi %add3A_69, %scan3A_62 : i32
      %get3A_71 = arith.index_cast %add3A_70 : i32 to index
      %get3A_72 = arith.constant 0 : index
      %get3A_73 = tpu.vector_load %arg8[%get3A_71, %get3A_72] {strides = array<i32>} : memref<128x128xf32, #tpu.memory_space<vmem>>, vector<1x16xf32>,
      %get3A_74 = vector.shape_cast %get3A_73 : vector<1x16xf32> to vector<16xf32>
      %sub3A = arith.subf %get3A_68, %get3A_74 : vector<16xf32>
      %mul3A_75 = arith.mulf %sub3A, %sub3A : vector<16xf32>
      %add3A_76 = arith.addf %scan3A_63, %mul3A_75 : vector<16xf32>
      %add3A_77 = arith.constant 0 : i32
      %add3A_78 = arith.addi %add3A_77, %scan3A_62 : i32
      %get3A_79 = arith.index_cast %add3A_78 : i32 to index
      %get3A_80 = arith.constant 16 : index
      %get3A_81 = tpu.vector_load %arg7[%get3A_79, %get3A_80] {strides = array<i32>} : memref<128x128xf32, #tpu.memory_space<vmem>>, vector<1x16xf32>,
      %get3A_82 = vector.shape_cast %get3A_81 : vector<1x16xf32> to vector<16xf32>
      %add3A_83 = arith.constant 0 : i32
      %add3A_84 = arith.addi %add3A_83, %scan3A_62 : i32
      %get3A_85 = arith.index_cast %add3A_84 : i32 to index
      %get3A_86 = arith.constant 16 : index
      %get3A_87 = tpu.vector_load %arg8[%get3A_85, %get3A_86] {strides = array<i32>} : memref<128x128xf32, #tpu.memory_space<vmem>>, vector<1x16xf32>,
      %get3A_88 = vector.shape_cast %get3A_87 : vector<1x16xf32> to vector<16xf32>
      %sub3A_89 = arith.subf %get3A_82, %get3A_88 : vector<16xf32>
      %mul3A_90 = arith.mulf %sub3A_89, %sub3A_89 : vector<16xf32>
      %add3A_91 = arith.addf %add3A_76, %mul3A_90 : vector<16xf32>
      %add3A_92 = arith.constant 0 : i32
      %add3A_93 = arith.addi %add3A_92, %scan3A_62 : i32
      %get3A_94 = arith.index_cast %add3A_93 : i32 to index
      %get3A_95 = arith.constant 32 : index
      %get3A_96 = tpu.vector_load %arg7[%get3A_94, %get3A_95] {strides = array<i32>} : memref<128x128xf32, #tpu.memory_space<vmem>>, vector<1x16xf32>,
      %get3A_97 = vector.shape_cast %get3A_96 : vector<1x16xf32> to vector<16xf32>
      %add3A_98 = arith.constant 0 : i32
      %add3A_99 = arith.addi %add3A_98, %scan3A_62 : i32
      %get3A_100 = arith.index_cast %add3A_99 : i32 to index
      %get3A_101 = arith.constant 32 : index
      %get3A_102 = tpu.vector_load %arg8[%get3A_100, %get3A_101] {strides = array<i32>} : memref<128x128xf32, #tpu.memory_space<vmem>>, vector<1x16xf32>,
      %get3A_103 = vector.shape_cast %get3A_102 : vector<1x16xf32> to vector<16xf32>
      %sub3A_104 = arith.subf %get3A_97, %get3A_103 : vector<16xf32>
      %mul3A_105 = arith.mulf %sub3A_104, %sub3A_104 : vector<16xf32>
      %add3A_106 = arith.addf %add3A_91, %mul3A_105 : vector<16xf32>
      %add3A_107 = arith.constant 0 : i32
      %add3A_108 = arith.addi %add3A_107, %scan3A_62 : i32
      %get3A_109 = arith.index_cast %add3A_108 : i32 to index
      %get3A_110 = arith.constant 48 : index
      %get3A_111 = tpu.vector_load %arg7[%get3A_109, %get3A_110] {strides = array<i32>} : memref<128x128xf32, #tpu.memory_space<vmem>>, vector<1x16xf32>,
      %get3A_112 = vector.shape_cast %get3A_111 : vector<1x16xf32> to vector<16xf32>
      %add3A_113 = arith.constant 0 : i32
      %add3A_114 = arith.addi %add3A_113, %scan3A_62 : i32
      %get3A_115 = arith.index_cast %add3A_114 : i32 to index
      %get3A_116 = arith.constant 48 : index
      %get3A_117 = tpu.vector_load %arg8[%get3A_115, %get3A_116] {strides = array<i32>} : memref<128x128xf32, #tpu.memory_space<vmem>>, vector<1x16xf32>,
      %get3A_118 = vector.shape_cast %get3A_117 : vector<1x16xf32> to vector<16xf32>
      %sub3A_119 = arith.subf %get3A_112, %get3A_118 : vector<16xf32>
      %mul3A_120 = arith.mulf %sub3A_119, %sub3A_119 : vector<16xf32>
      %add3A_121 = arith.addf %add3A_106, %mul3A_120 : vector<16xf32>
      %add3A_122 = arith.constant 0 : i32
      %add3A_123 = arith.addi %add3A_122, %scan3A_62 : i32
      %get3A_124 = arith.index_cast %add3A_123 : i32 to index
      %get3A_125 = arith.constant 64 : index
      %get3A_126 = tpu.vector_load %arg7[%get3A_124, %get3A_125] {strides = array<i32>} : memref<128x128xf32, #tpu.memory_space<vmem>>, vector<1x16xf32>,
      %get3A_127 = vector.shape_cast %get3A_126 : vector<1x16xf32> to vector<16xf32>
      %add3A_128 = arith.constant 0 : i32
      %add3A_129 = arith.addi %add3A_128, %scan3A_62 : i32
      %get3A_130 = arith.index_cast %add3A_129 : i32 to index
      %get3A_131 = arith.constant 64 : index
      %get3A_132 = tpu.vector_load %arg8[%get3A_130, %get3A_131] {strides = array<i32>} : memref<128x128xf32, #tpu.memory_space<vmem>>, vector<1x16xf32>,
      %get3A_133 = vector.shape_cast %get3A_132 : vector<1x16xf32> to vector<16xf32>
      %sub3A_134 = arith.subf %get3A_127, %get3A_133 : vector<16xf32>
      %mul3A_135 = arith.mulf %sub3A_134, %sub3A_134 : vector<16xf32>
      %add3A_136 = arith.addf %add3A_121, %mul3A_135 : vector<16xf32>
      %add3A_137 = arith.constant 0 : i32
      %add3A_138 = arith.addi %add3A_137, %scan3A_62 : i32
      %get3A_139 = arith.index_cast %add3A_138 : i32 to index
      %get3A_140 = arith.constant 80 : index
      %get3A_141 = tpu.vector_load %arg7[%get3A_139, %get3A_140] {strides = array<i32>} : memref<128x128xf32, #tpu.memory_space<vmem>>, vector<1x16xf32>,
      %get3A_142 = vector.shape_cast %get3A_141 : vector<1x16xf32> to vector<16xf32>
      %add3A_143 = arith.constant 0 : i32
      %add3A_144 = arith.addi %add3A_143, %scan3A_62 : i32
      %get3A_145 = arith.index_cast %add3A_144 : i32 to index
      %get3A_146 = arith.constant 80 : index
      %get3A_147 = tpu.vector_load %arg8[%get3A_145, %get3A_146] {strides = array<i32>} : memref<128x128xf32, #tpu.memory_space<vmem>>, vector<1x16xf32>,
      %get3A_148 = vector.shape_cast %get3A_147 : vector<1x16xf32> to vector<16xf32>
      %sub3A_149 = arith.subf %get3A_142, %get3A_148 : vector<16xf32>
      %mul3A_150 = arith.mulf %sub3A_149, %sub3A_149 : vector<16xf32>
      %add3A_151 = arith.addf %add3A_136, %mul3A_150 : vector<16xf32>
      %add3A_152 = arith.constant 0 : i32
      %add3A_153 = arith.addi %add3A_152, %scan3A_62 : i32
      %get3A_154 = arith.index_cast %add3A_153 : i32 to index
      %get3A_155 = arith.constant 96 : index
      %get3A_156 = tpu.vector_load %arg7[%get3A_154, %get3A_155] {strides = array<i32>} : memref<128x128xf32, #tpu.memory_space<vmem>>, vector<1x16xf32>,
      %get3A_157 = vector.shape_cast %get3A_156 : vector<1x16xf32> to vector<16xf32>
      %add3A_158 = arith.constant 0 : i32
      %add3A_159 = arith.addi %add3A_158, %scan3A_62 : i32
      %get3A_160 = arith.index_cast %add3A_159 : i32 to index
      %get3A_161 = arith.constant 96 : index
      %get3A_162 = tpu.vector_load %arg8[%get3A_160, %get3A_161] {strides = array<i32>} : memref<128x128xf32, #tpu.memory_space<vmem>>, vector<1x16xf32>,
      %get3A_163 = vector.shape_cast %get3A_162 : vector<1x16xf32> to vector<16xf32>
      %sub3A_164 = arith.subf %get3A_157, %get3A_163 : vector<16xf32>
      %mul3A_165 = arith.mulf %sub3A_164, %sub3A_164 : vector<16xf32>
      %add3A_166 = arith.addf %add3A_151, %mul3A_165 : vector<16xf32>
      %add3A_167 = arith.constant 0 : i32
      %add3A_168 = arith.addi %add3A_167, %scan3A_62 : i32
      %get3A_169 = arith.index_cast %add3A_168 : i32 to index
      %get3A_170 = arith.constant 112 : index
      %get3A_171 = tpu.vector_load %arg7[%get3A_169, %get3A_170] {strides = array<i32>} : memref<128x128xf32, #tpu.memory_space<vmem>>, vector<1x16xf32>,
      %get3A_172 = vector.shape_cast %get3A_171 : vector<1x16xf32> to vector<16xf32>
      %add3A_173 = arith.constant 0 : i32
      %add3A_174 = arith.addi %add3A_173, %scan3A_62 : i32
      %get3A_175 = arith.index_cast %add3A_174 : i32 to index
      %get3A_176 = arith.constant 112 : index
      %get3A_177 = tpu.vector_load %arg8[%get3A_175, %get3A_176] {strides = array<i32>} : memref<128x128xf32, #tpu.memory_space<vmem>>, vector<1x16xf32>,
      %get3A_178 = vector.shape_cast %get3A_177 : vector<1x16xf32> to vector<16xf32>
      %sub3A_179 = arith.subf %get3A_172, %get3A_178 : vector<16xf32>
      %mul3A_180 = arith.mulf %sub3A_179, %sub3A_179 : vector<16xf32>
      %add3A_181 = arith.addf %add3A_166, %mul3A_180 : vector<16xf32>
      scf.yield %add3A_181 : vector<16xf32>
    }
    %scan3A_44 = arith.constant 120 : i32
    %dma_wait3A_45 = arith.constant 120 : i32
    %dma_wait3A_46 = arith.constant 0 : i32
    %dma_wait3A_47 = tpu.memref_slice %arg8[%dma_wait3A_45, %dma_wait3A_46] : memref<128x128xf32, #tpu.memory_space<vmem>> -> memref<8x128xf32, #tpu.memory_space<vmem>>
    %dma_wait3A_48 = arith.constant 120 : i32
    %dma_wait3A_49 = tpu.memref_slice %arg6[%dma_wait3A_48] : memref<128xi32, #tpu.memory_space<vmem>> -> memref<8xi32, #tpu.memory_space<vmem>>
    %dma_wait3A_50 = arith.constant 0 : i32
    %dma_wait3A_51 = arith.constant 0 : i32
    %dma_wait3A_52 = tpu.memref_slice %arg4[%dma_wait3A_50, %dma_wait3A_51] : memref<100000x128xf32, #tpu.memory_space<hbm>> -> memref<100000x128xf32, #tpu.memory_space<hbm>>
    tpu.wait_indirect_dma semaphore(%arg12 : memref<!tpu.dma_semaphore, #tpu.memory_space<semaphore_mem>>) src(%dma_wait3A_52 : memref<100000x128xf32, #tpu.memory_space<hbm>>) dst(%dma_wait3A_47 : memref<8x128xf32, #tpu.memory_space<vmem>>)
    %scan3A_53 = arith.constant 0 : i32
    %scan3A_54 = arith.constant 8 : i32
    %scan3A_55 = arith.addi %scan3A_53, %scan3A_54 : i32
    %scan3A_56 = arith.constant 1 : i32
    %scan3A_57 = scf.for %scan3A_62 = %scan3A_53 to %scan3A_55 step %scan3A_56 iter_args(%scan3A_63 = %scan3A_43) -> (vector<16xf32>)  : i32 {
      %add3A_64 = arith.constant 120 : i32
      %add3A_65 = arith.addi %add3A_64, %scan3A_62 : i32
      %get3A = arith.index_cast %add3A_65 : i32 to index
      %get3A_66 = arith.constant 0 : index
      %get3A_67 = tpu.vector_load %arg7[%get3A, %get3A_66] {strides = array<i32>} : memref<128x128xf32, #tpu.memory_space<vmem>>, vector<1x16xf32>,
      %get3A_68 = vector.shape_cast %get3A_67 : vector<1x16xf32> to vector<16xf32>
      %add3A_69 = arith.constant 120 : i32
      %add3A_70 = arith.addi %add3A_69, %scan3A_62 : i32
      %get3A_71 = arith.index_cast %add3A_70 : i32 to index
      %get3A_72 = arith.constant 0 : index
      %get3A_73 = tpu.vector_load %arg8[%get3A_71, %get3A_72] {strides = array<i32>} : memref<128x128xf32, #tpu.memory_space<vmem>>, vector<1x16xf32>,
      %get3A_74 = vector.shape_cast %get3A_73 : vector<1x16xf32> to vector<16xf32>
      %sub3A = arith.subf %get3A_68, %get3A_74 : vector<16xf32>
      %mul3A_75 = arith.mulf %sub3A, %sub3A : vector<16xf32>
      %add3A_76 = arith.addf %scan3A_63, %mul3A_75 : vector<16xf32>
      %add3A_77 = arith.constant 120 : i32
      %add3A_78 = arith.addi %add3A_77, %scan3A_62 : i32
      %get3A_79 = arith.index_cast %add3A_78 : i32 to index
      %get3A_80 = arith.constant 16 : index
      %get3A_81 = tpu.vector_load %arg7[%get3A_79, %get3A_80] {strides = array<i32>} : memref<128x128xf32, #tpu.memory_space<vmem>>, vector<1x16xf32>,
      %get3A_82 = vector.shape_cast %get3A_81 : vector<1x16xf32> to vector<16xf32>
      %add3A_83 = arith.constant 120 : i32
      %add3A_84 = arith.addi %add3A_83, %scan3A_62 : i32
      %get3A_85 = arith.index_cast %add3A_84 : i32 to index
      %get3A_86 = arith.constant 16 : index
      %get3A_87 = tpu.vector_load %arg8[%get3A_85, %get3A_86] {strides = array<i32>} : memref<128x128xf32, #tpu.memory_space<vmem>>, vector<1x16xf32>,
      %get3A_88 = vector.shape_cast %get3A_87 : vector<1x16xf32> to vector<16xf32>
      %sub3A_89 = arith.subf %get3A_82, %get3A_88 : vector<16xf32>
      %mul3A_90 = arith.mulf %sub3A_89, %sub3A_89 : vector<16xf32>
      %add3A_91 = arith.addf %add3A_76, %mul3A_90 : vector<16xf32>
      %add3A_92 = arith.constant 120 : i32
      %add3A_93 = arith.addi %add3A_92, %scan3A_62 : i32
      %get3A_94 = arith.index_cast %add3A_93 : i32 to index
      %get3A_95 = arith.constant 32 : index
      %get3A_96 = tpu.vector_load %arg7[%get3A_94, %get3A_95] {strides = array<i32>} : memref<128x128xf32, #tpu.memory_space<vmem>>, vector<1x16xf32>,
      %get3A_97 = vector.shape_cast %get3A_96 : vector<1x16xf32> to vector<16xf32>
      %add3A_98 = arith.constant 120 : i32
      %add3A_99 = arith.addi %add3A_98, %scan3A_62 : i32
      %get3A_100 = arith.index_cast %add3A_99 : i32 to index
      %get3A_101 = arith.constant 32 : index
      %get3A_102 = tpu.vector_load %arg8[%get3A_100, %get3A_101] {strides = array<i32>} : memref<128x128xf32, #tpu.memory_space<vmem>>, vector<1x16xf32>,
      %get3A_103 = vector.shape_cast %get3A_102 : vector<1x16xf32> to vector<16xf32>
      %sub3A_104 = arith.subf %get3A_97, %get3A_103 : vector<16xf32>
      %mul3A_105 = arith.mulf %sub3A_104, %sub3A_104 : vector<16xf32>
      %add3A_106 = arith.addf %add3A_91, %mul3A_105 : vector<16xf32>
      %add3A_107 = arith.constant 120 : i32
      %add3A_108 = arith.addi %add3A_107, %scan3A_62 : i32
      %get3A_109 = arith.index_cast %add3A_108 : i32 to index
      %get3A_110 = arith.constant 48 : index
      %get3A_111 = tpu.vector_load %arg7[%get3A_109, %get3A_110] {strides = array<i32>} : memref<128x128xf32, #tpu.memory_space<vmem>>, vector<1x16xf32>,
      %get3A_112 = vector.shape_cast %get3A_111 : vector<1x16xf32> to vector<16xf32>
      %add3A_113 = arith.constant 120 : i32
      %add3A_114 = arith.addi %add3A_113, %scan3A_62 : i32
      %get3A_115 = arith.index_cast %add3A_114 : i32 to index
      %get3A_116 = arith.constant 48 : index
      %get3A_117 = tpu.vector_load %arg8[%get3A_115, %get3A_116] {strides = array<i32>} : memref<128x128xf32, #tpu.memory_space<vmem>>, vector<1x16xf32>,
      %get3A_118 = vector.shape_cast %get3A_117 : vector<1x16xf32> to vector<16xf32>
      %sub3A_119 = arith.subf %get3A_112, %get3A_118 : vector<16xf32>
      %mul3A_120 = arith.mulf %sub3A_119, %sub3A_119 : vector<16xf32>
      %add3A_121 = arith.addf %add3A_106, %mul3A_120 : vector<16xf32>
      %add3A_122 = arith.constant 120 : i32
      %add3A_123 = arith.addi %add3A_122, %scan3A_62 : i32
      %get3A_124 = arith.index_cast %add3A_123 : i32 to index
      %get3A_125 = arith.constant 64 : index
      %get3A_126 = tpu.vector_load %arg7[%get3A_124, %get3A_125] {strides = array<i32>} : memref<128x128xf32, #tpu.memory_space<vmem>>, vector<1x16xf32>,
      %get3A_127 = vector.shape_cast %get3A_126 : vector<1x16xf32> to vector<16xf32>
      %add3A_128 = arith.constant 120 : i32
      %add3A_129 = arith.addi %add3A_128, %scan3A_62 : i32
      %get3A_130 = arith.index_cast %add3A_129 : i32 to index
      %get3A_131 = arith.constant 64 : index
      %get3A_132 = tpu.vector_load %arg8[%get3A_130, %get3A_131] {strides = array<i32>} : memref<128x128xf32, #tpu.memory_space<vmem>>, vector<1x16xf32>,
      %get3A_133 = vector.shape_cast %get3A_132 : vector<1x16xf32> to vector<16xf32>
      %sub3A_134 = arith.subf %get3A_127, %get3A_133 : vector<16xf32>
      %mul3A_135 = arith.mulf %sub3A_134, %sub3A_134 : vector<16xf32>
      %add3A_136 = arith.addf %add3A_121, %mul3A_135 : vector<16xf32>
      %add3A_137 = arith.constant 120 : i32
      %add3A_138 = arith.addi %add3A_137, %scan3A_62 : i32
      %get3A_139 = arith.index_cast %add3A_138 : i32 to index
      %get3A_140 = arith.constant 80 : index
      %get3A_141 = tpu.vector_load %arg7[%get3A_139, %get3A_140] {strides = array<i32>} : memref<128x128xf32, #tpu.memory_space<vmem>>, vector<1x16xf32>,
      %get3A_142 = vector.shape_cast %get3A_141 : vector<1x16xf32> to vector<16xf32>
      %add3A_143 = arith.constant 120 : i32
      %add3A_144 = arith.addi %add3A_143, %scan3A_62 : i32
      %get3A_145 = arith.index_cast %add3A_144 : i32 to index
      %get3A_146 = arith.constant 80 : index
      %get3A_147 = tpu.vector_load %arg8[%get3A_145, %get3A_146] {strides = array<i32>} : memref<128x128xf32, #tpu.memory_space<vmem>>, vector<1x16xf32>,
      %get3A_148 = vector.shape_cast %get3A_147 : vector<1x16xf32> to vector<16xf32>
      %sub3A_149 = arith.subf %get3A_142, %get3A_148 : vector<16xf32>
      %mul3A_150 = arith.mulf %sub3A_149, %sub3A_149 : vector<16xf32>
      %add3A_151 = arith.addf %add3A_136, %mul3A_150 : vector<16xf32>
      %add3A_152 = arith.constant 120 : i32
      %add3A_153 = arith.addi %add3A_152, %scan3A_62 : i32
      %get3A_154 = arith.index_cast %add3A_153 : i32 to index
      %get3A_155 = arith.constant 96 : index
      %get3A_156 = tpu.vector_load %arg7[%get3A_154, %get3A_155] {strides = array<i32>} : memref<128x128xf32, #tpu.memory_space<vmem>>, vector<1x16xf32>,
      %get3A_157 = vector.shape_cast %get3A_156 : vector<1x16xf32> to vector<16xf32>
      %add3A_158 = arith.constant 120 : i32
      %add3A_159 = arith.addi %add3A_158, %scan3A_62 : i32
      %get3A_160 = arith.index_cast %add3A_159 : i32 to index
      %get3A_161 = arith.constant 96 : index
      %get3A_162 = tpu.vector_load %arg8[%get3A_160, %get3A_161] {strides = array<i32>} : memref<128x128xf32, #tpu.memory_space<vmem>>, vector<1x16xf32>,
      %get3A_163 = vector.shape_cast %get3A_162 : vector<1x16xf32> to vector<16xf32>
      %sub3A_164 = arith.subf %get3A_157, %get3A_163 : vector<16xf32>
      %mul3A_165 = arith.mulf %sub3A_164, %sub3A_164 : vector<16xf32>
      %add3A_166 = arith.addf %add3A_151, %mul3A_165 : vector<16xf32>
      %add3A_167 = arith.constant 120 : i32
      %add3A_168 = arith.addi %add3A_167, %scan3A_62 : i32
      %get3A_169 = arith.index_cast %add3A_168 : i32 to index
      %get3A_170 = arith.constant 112 : index
      %get3A_171 = tpu.vector_load %arg7[%get3A_169, %get3A_170] {strides = array<i32>} : memref<128x128xf32, #tpu.memory_space<vmem>>, vector<1x16xf32>,
      %get3A_172 = vector.shape_cast %get3A_171 : vector<1x16xf32> to vector<16xf32>
      %add3A_173 = arith.constant 120 : i32
      %add3A_174 = arith.addi %add3A_173, %scan3A_62 : i32
      %get3A_175 = arith.index_cast %add3A_174 : i32 to index
      %get3A_176 = arith.constant 112 : index
      %get3A_177 = tpu.vector_load %arg8[%get3A_175, %get3A_176] {strides = array<i32>} : memref<128x128xf32, #tpu.memory_space<vmem>>, vector<1x16xf32>,
      %get3A_178 = vector.shape_cast %get3A_177 : vector<1x16xf32> to vector<16xf32>
      %sub3A_179 = arith.subf %get3A_172, %get3A_178 : vector<16xf32>
      %mul3A_180 = arith.mulf %sub3A_179, %sub3A_179 : vector<16xf32>
      %add3A_181 = arith.addf %add3A_166, %mul3A_180 : vector<16xf32>
      scf.yield %add3A_181 : vector<16xf32>
    }
    %scan3A_58 = arith.constant 8 : i32
    %swap3A = arith.constant 0 : index
    %swap3A_59 = tpu.vector_load %arg9[%swap3A] {strides = array<i32>} : memref<16xf32, #tpu.memory_space<vmem>>, vector<16xf32>,
    %swap3A_60 = vector.shape_cast %swap3A_59 : vector<16xf32> to vector<16xf32>
    %swap3A_61 = vector.shape_cast %scan3A_57 : vector<16xf32> to vector<16xf32>
    tpu.vector_store %arg9[%swap3A], %swap3A_61 {strides = array<i32>} : memref<16xf32, #tpu.memory_space<vmem>>, vector<16xf32>,
    "tpu.region"() ({
      %run_scoped3A = tpu.sem_alloc : memref<!tpu.dma_semaphore, #tpu.memory_space<semaphore_mem>>
      %dma_start3A_62 = arith.constant 0 : i32
      %dma_start3A_63 = tpu.memref_slice %arg5[%add3A, %dma_start3A_62] : memref<32x16xf32, #tpu.memory_space<hbm>> -> memref<1x16xf32, #tpu.memory_space<hbm>>
      %dma_start3A_64 = tpu.memref_squeeze %dma_start3A_63 : memref<1x16xf32, #tpu.memory_space<hbm>> -> memref<16xf32, #tpu.memory_space<hbm>>
      %dma_start3A_65 = arith.constant 0 : i32
      %dma_start3A_66 = tpu.memref_slice %arg5[%add3A, %dma_start3A_65] : memref<32x16xf32, #tpu.memory_space<hbm>> -> memref<1x16xf32, #tpu.memory_space<hbm>>
      %dma_start3A_67 = tpu.memref_squeeze %dma_start3A_66 : memref<1x16xf32, #tpu.memory_space<hbm>> -> memref<16xf32, #tpu.memory_space<hbm>>
      tpu.enqueue_dma source(%arg9 : memref<16xf32, #tpu.memory_space<vmem>>) target(%dma_start3A_67 : memref<16xf32, #tpu.memory_space<hbm>>) target_semaphore(%run_scoped3A : memref<!tpu.dma_semaphore, #tpu.memory_space<semaphore_mem>>)
      %dma_wait3A_68 = arith.constant 0 : i32
      %dma_wait3A_69 = tpu.memref_slice %arg5[%add3A, %dma_wait3A_68] : memref<32x16xf32, #tpu.memory_space<hbm>> -> memref<1x16xf32, #tpu.memory_space<hbm>>
      %dma_wait3A_70 = tpu.memref_squeeze %dma_wait3A_69 : memref<1x16xf32, #tpu.memory_space<hbm>> -> memref<16xf32, #tpu.memory_space<hbm>>
      %dma_wait3A_71 = arith.constant 0 : i32
      %dma_wait3A_72 = tpu.memref_slice %arg5[%add3A, %dma_wait3A_71] : memref<32x16xf32, #tpu.memory_space<hbm>> -> memref<1x16xf32, #tpu.memory_space<hbm>>
      %dma_wait3A_73 = tpu.memref_squeeze %dma_wait3A_72 : memref<1x16xf32, #tpu.memory_space<hbm>> -> memref<16xf32, #tpu.memory_space<hbm>>
      tpu.wait_dma2 semaphore(%run_scoped3A : memref<!tpu.dma_semaphore, #tpu.memory_space<semaphore_mem>>) src(%arg9 : memref<16xf32, #tpu.memory_space<vmem>>) dst(%dma_wait3A_73 : memref<16xf32, #tpu.memory_space<hbm>>)
      tpu.yield
    }) : () -> ()
    return
  }
}

</mosaic_0001>

<sc_bundles>
// kernel: kernel.3.cloned.1.call-start
scs
__scs_entry_jumppad:
0x0: {  	(pc) =	sbr.rel $0x88, $3  }
0x1: {  	(tag) =	ssettag $0x0;
	lr =	simm.s32 $0x1  }
0x2: {  	[smem:$0x3F9E] =	sst lr;
	_ =	strace $0xD0000000  }
0x3: {  	_ = 	snop  }
0x4: {  	_ = 	snop  }
0x5: {  	_ = 	snop  }
0x6: {  	_ = 	snop  }
0x7: {  	_ = 	snop  }
__scs_overlays_trampoline_lowered:
0x8: {  	[smem:$0x3FAD] =	sst s0  }
0x9: {  	[smem:$0x3FAE] =	sst s1  }
0xa: {  	[smem:$0x3FAF] =	sst s2  }
0xb: {  	[smem:$0x3FB0] =	sst s3  }
0xc: {  	[smem:$0x3FB1] =	sst s4  }
0xd: {  	[smem:$0x3FB2] =	sst s5  }
0xe: {  	[smem:$0x3FB3] =	sst s6  }
0xf: {  	[smem:$0x3FB4] =	sst s7  }
0x10: {  	[smem:$0x3FB5] =	sst s8  }
0x11: {  	[smem:$0x3FB6] =	sst s9;
	s0 =	simm.s32 @!p0 $0x0  }
0x12: {  	s1 =	sld [smem:$0x3F9C];
	s0 =	simm.s32 @p0 $0x1  }
0x13: {  	[smem:$0x3FB7] =	sst s0;
	s0 =	simm.s32 @!p1 $0x0  }
0x14: {  	s2 =	sld [smem:$0x3F9B];
	s0 =	simm.s32 @p1 $0x1  }
0x15: {  	[smem:$0x3FB8] =	sst s0;
	s0 =	simm.s32 @!p2 $0x0  }
0x16: {  	s3 =	sld [smem:$0x3FDB];
	s0 =	simm.s32 @p2 $0x1  }
0x17: {  	s4 =	simm.s32 $0x1BF5;
	[smem:$0x3FBA] =	sst s0  }
0x18: {  	s0 =	sld [smem:$0x3F9D];
	_ =	swait.ge [sflag:s4], $0x0  }
0x19: {  	s7 =	sld [smem:$0x3F9E]  }
0x1a: {  	s8 =	sadd.s32 $0xFFFFE003, lr  }
0x1b: {  	s9 =	sadd.s32 $0xFFFFFEF7, lr;
	s5 =	simm.s32 $0xFFFFFFFF;
	p2 =	slt.u32 s8, $0xFFFFF086  }
0x1c: {  	p1 =	slt.u32 s9, $0xF7A;
	s5 =	simm.s32 @!p2 $0x0  }
0x1d: {  	s5 =	simm.s32 @p1 $0x1;
	p0 =	seq.s32 s7, s2  }
0x1e: {  	s7 =	smul.u32 @!p0 $0xF7A, s2;
	p2 =	seq.s32 @!p0 s5, $0x0  }
0x1f: {  	s9 =	smul.u32 $0xF7A, s1;
	s8 =	simm.s32 @!p0 $0x1BF5;
	p2 =	por !p2, p0  }
0x20: {  	[sflag:s8] =	ssyncset.s32 @!p0 $0xFFFFF086;
	s6 =	sadd.s32 @!p0 s3, s7;
	s7 =	simm.s32 @!p0 $0x108  }
0x21: {  	s3 =	sadd.s32 s3, s9;
	s6 =	sadd.s32 @!p0 $0x88, s6;
	s7 =	simm.s32 @p2 $0x1082  }
0x22: {  	[simem:s7], [sflag:s8] =	dma.local @!p0 [hbm:s6], $0xF7A  }
0x23: {  	s9 =	sor.u32 $0xD0000000, s2;
	s6 =	simm.s32 $0x108;
	_ =	swait.ge @!p0 [sflag:s8], $0x0  }
0x24: {  	s3 =	sadd.s32 $0x88, s3;
	s6 =	simm.s32 @!p1 $0x1082;
	[sflag:s4] =	ssyncset.s32 $0xFFFFF086  }
0x25: {  	[simem:s6], [sflag:s4] =	dma.local [hbm:s3], $0xF7A  }
0x26: {  	[smem:$0x3F9E] =	sst s1;
	(tag) =	ssettag s2;
	_ =	strace s9  }
0x27: {  	s1 =	sld [smem:$0x3FAE]  }
0x28: {  	s2 =	sld [smem:$0x3FAF]  }
0x29: {  	s4 =	sld [smem:$0x3FB1]  }
0x2a: {  	p0 =	seq.s32 s5, $0x0;
	s5 =	sld [smem:$0x3FB2]  }
0x2b: {  	s6 =	sld [smem:$0x3FB3]  }
0x2c: {  	s7 =	sld [smem:$0x3FB4]  }
0x2d: {  	s3 =	simm.s32 $0x108;
	s8 =	sld [smem:$0x3FB5]  }
0x2e: {  	s3 =	simm.s32 @!p0 $0x1082;
	s9 =	sld [smem:$0x3FB6]  }
0x2f: {  	lr =	sadd.s32 s0, s3;
	s0 =	sld [smem:$0x3FAD]  }
0x30: {  	s3 =	sld [smem:$0x3FB0]  }
0x31: {  	[smem:$0x3FB9] =	sst s10  }
0x32: {  	s10 =	sld [smem:$0x3FB7];
	_ =	sdelay $0x3  }
0x33: {  	p0 =	seq.s32 s10, $0x1;
	s10 =	sld [smem:$0x3FB9];
	_ =	sdelay $0x3  }
0x34: {  	[smem:$0x3FB9] =	sst s10  }
0x35: {  	s10 =	sld [smem:$0x3FB8];
	_ =	sdelay $0x3  }
0x36: {  	p1 =	seq.s32 s10, $0x1;
	s10 =	sld [smem:$0x3FB9];
	_ =	sdelay $0x3  }
0x37: {  	[smem:$0x3FB9] =	sst s10  }
0x38: {  	s10 =	sld [smem:$0x3FBA]  }
0x39: {  	_ = 	snop;
	(pc) =	sbr.ind lr, $3  }
0x3a: {  	_ = 	snop  }
0x3b: {  	_ = 	snop  }
0x3c: {  	p2 =	seq.s32 s10, $0x1;
	s10 =	sld [smem:$0x3FB9]  }
0x3d: {  	_ =	shalt  }
0x3e: {  	_ =	shalt  }
0x3f: {  	_ =	shalt  }
0x40: {  	_ =	shalt  }
0x41: {  	_ =	shalt  }
0x42: {  	_ =	shalt  }
0x43: {  	_ =	shalt  }
0x44: {  	_ =	shalt  }
0x45: {  	_ =	shalt  }
0x46: {  	_ =	shalt  }
0x47: {  	_ =	shalt  }
0x48: {  	_ =	shalt  }
0x49: {  	_ =	shalt  }
0x4a: {  	_ =	shalt  }
0x4b: {  	_ =	shalt  }
0x4c: {  	_ =	shalt  }
0x4d: {  	_ =	shalt  }
0x4e: {  	_ =	shalt  }
0x4f: {  	_ =	shalt  }
0x50: {  	_ =	shalt  }
0x51: {  	_ =	shalt  }
0x52: {  	_ =	shalt  }
0x53: {  	_ =	shalt  }
0x54: {  	_ =	shalt  }
0x55: {  	_ =	shalt  }
0x56: {  	_ =	shalt  }
0x57: {  	_ =	shalt  }
0x58: {  	_ =	shalt  }
0x59: {  	_ =	shalt  }
0x5a: {  	_ =	shalt  }
0x5b: {  	_ =	shalt  }
0x5c: {  	_ =	shalt  }
0x5d: {  	_ =	shalt  }
0x5e: {  	_ =	shalt  }
0x5f: {  	_ =	shalt  }
0x60: {  	_ =	shalt  }
0x61: {  	_ =	shalt  }
0x62: {  	_ =	shalt  }
0x63: {  	_ =	shalt  }
0x64: {  	_ =	shalt  }
0x65: {  	_ =	shalt  }
0x66: {  	_ =	shalt  }
0x67: {  	_ =	shalt  }
0x68: {  	_ =	shalt  }
0x69: {  	_ =	shalt  }
0x6a: {  	_ =	shalt  }
0x6b: {  	_ =	shalt  }
0x6c: {  	_ =	shalt  }
0x6d: {  	_ =	shalt  }
0x6e: {  	_ =	shalt  }
0x6f: {  	_ =	shalt  }
0x70: {  	_ =	shalt  }
0x71: {  	_ =	shalt  }
0x72: {  	_ =	shalt  }
0x73: {  	_ =	shalt  }
0x74: {  	_ =	shalt  }
0x75: {  	_ =	shalt  }
0x76: {  	_ =	shalt  }
0x77: {  	_ =	shalt  }
0x78: {  	_ =	shalt  }
0x79: {  	_ =	shalt  }
0x7a: {  	_ =	shalt  }
0x7b: {  	_ =	shalt  }
0x7c: {  	_ =	shalt  }
0x7d: {  	_ =	shalt  }
0x7e: {  	_ =	shalt  }
0x7f: {  	_ =	shalt  }
0x80: {  	_ =	shalt  }
0x81: {  	_ =	shalt  }
0x82: {  	_ =	shalt  }
0x83: {  	_ =	shalt  }
0x84: {  	_ =	shalt  }
0x85: {  	_ =	shalt  }
0x86: {  	_ =	shalt  }
0x87: {  	_ =	shalt  }
.Lfunc_end0:
.L_simem_size_0:
called_computation_lowered:
.L_overlay_start_0:
0x88: {  	s2 =	sld [smem:$0x3FD9]  }
0x89: {  	s3 =	sld [smem:$0x3FFE];
	_ =	sdelay $0x1  }
0x8a: {  	s1 =	srdreg.scid  }
0x8b: {  	s0 =	sand.u32 $0x1, s1  }
0x8c: {  	s17 =	sshll.u32 s0, $0xA;
	s2 =	sadd.s32 s3, s2  }
0x8d: {  	s2 =	sadd.s32 s2, s17  }
0x8e: {  	[smem:$0x3FC5] =	sst s2  }
0x8f: {  	_ = 	snop  }
0x90: {  	s2 =	sld [smem:$0x3FC9]  }
0x91: {  	s18 =	sld [smem:$0x3FC8]  }
0x92: {  	s4 =	sld [smem:$0x3FC7];
	(tm) =	ssettm $0x1  }
0x93: {  	s5 =	sld [smem:$0x3FFB];
	_ =	sdelay $0x3  }
0x94: {  	_ =	strace s5  }
0x95: {  	s5 =	sld [smem:$0x3FFC];
	_ =	sdelay $0x3  }
0x96: {  	_ =	strace s5  }
0x97: {  	s5 =	sld [smem:$0x3FFD];
	_ =	sdelay $0x3  }
0x98: {  	_ =	strace s5  }
0x99: {  	_ =	strace $0x8FFFFFFF  }
0x9a: {  	s19 =	sld [smem:$0x3FDB];
	_ =	sdelay $0x1  }
0x9b: {  	s6 =	simm.s32 $_scs_section_size  }
0x9c: {  	s7 =	simm.s32 $_size__tile_overlayer_lowered;
	s8 =	simm.s32 $_tile_overlayer_lowered  }
0x9d: {  	s22 =	simm.s32 $0x1BFF;
	s21 =	sshll.u32 s8, $0x1;
	s5 =	sadd.s32 s6, s19  }
0x9e: {  	s9 =	simm.s32 $0x0;
	s20 =	sshll.u32 s7, $0x1;
	s7 =	sadd.s32 s21, s5  }
0x9f: {  	[timem:s9], [sflag:s22] =	dma.local [hbm:s7], s20  }
0xa0: {  	_ =	swait.ge [sflag:s22], s20  }
0xa1: {  	s6 =	ssub.s32 $0x0, s20;
	[sflag:s22] =	ssyncset.done $0x0  }
0xa2: {  	[sflag:s22] =	ssyncadd.s32 s6;
	_ =	sdelay $0x1  }
0xa3: {  	s23 =	simm.s32 $0x1B8B  }
0xa4: {  	_ =	swait.ge [sflag:s23], $0x1  }
0xa5: {  	[sflag:s23] =	ssyncset.done $0x0  }
0xa6: {  	s25 =	simm.s32 $0x1B8E;
	s24 =	sld [smem:$0x3FFE];
	[sflag:s23] =	ssyncadd.s32 $0xFFFFFFFF  }
0xa7: {  	s26 =	simm.s32 $execute0_lowered;
	[smem:$0x3FD2] =	sst s25  }
0xa8: {  	s7 =	sshll.u32 s26, $0x1;
	_ =	strace $0x80000046;
	[dreg:$0x1] =	wrdreg $0xFFFFFFFF  }
0xa9: {  	s28 =	simm.s32 $_size_execute0_lowered;
	s5 =	sadd.s32 s5, s7;
	[dreg:$0x0] =	wrdreg $0x0  }
0xaa: {  	s7 =	sshll.u32 s28, $0x1;
	[dreg:$0x2] =	wrdreg s5  }
0xab: {  	[dreg:$0x3] =	wrdreg s7  }
0xac: {  	[dreg:$0x4] =	wrdreg $0xC0  }
0xad: {  	_ =	task [dreg:s9], $0x5FFFF  }
0xae: {  	[dreg:$0x1] =	wrdreg $0xFFFFFFFF  }
0xaf: {  	[dreg:$0x0] =	wrdreg $0x60  }
0xb0: {  	[dreg:$0x2] =	wrdreg s2  }
0xb1: {  	[dreg:$0x3] =	wrdreg s18  }
0xb2: {  	[dreg:$0x4] =	wrdreg s4  }
0xb3: {  	[dreg:$0x5] =	wrdreg s24  }
0xb4: {  	[dreg:$0x6] =	wrdreg $0x9  }
0xb5: {  	_ =	task.clear_ibuf [dreg:s9], $0x7FFFF;
	_ =	strace $0x90000046  }
0xb6: {  	s29 =	simm.s32 $0x9;
	_ =	strace $0x80000048  }
0xb7: {  	_ =	swait.ge [sflag:s29], $0x1  }
0xb8: {  	[sflag:s29] =	ssyncadd.s32 $0xFFFFFFFF  }
0xb9: {  	_ =	strace $0x90000048  }
0xba: {  	_ =	sfence  }
0xbb: {  	s30 =	sld [smem:$0x0];
	_ =	sdelay $0x2  }
0xbc: {  	s31 =	sshll.u32 s1, $0xD;
	s1 =	sshrl.u32 s1, $0x2  }
0xbd: {  	s3 =	sand.u32 $0x4000, s31;
	s1 =	sadd.s32 s1, s30  }
0xbe: {  	s0 =	sor.u32 s3, s0;
	s1 =	sshll.u32 s1, $0x11  }
0xbf: {  	s0 =	sor.u32 s1, s0  }
0xc0: {  	s0 =	sadd.s32 $0x8F2B, s0  }
0xc1: {  	[sflag:s0] =	ssyncadd.remote.s32 $0x1  }
0xc2: {  	_ =	sfence.sel $0xFFFF  }
0xc3: {  	[dreg:$0x0] =	wrdreg $0xFFFFFFFF;
	(pc) =	sbr.abs _section_cstart, $3  }
0xc4: {  	[dreg:$0x1] =	wrdreg $0xFFFFFFFF  }
0xc5: {  	_ =	task.clear_ibuf [dreg:s9], $0x2FFFF;
	_ =	strace $0x9FFFFFFF  }
0xc6: {  	(tm) =	ssettm $0x7FFFFFFF  }
0xc7: {  	_ =	shalt  }
tec
execute0_lowered:
.L_overlay_start_1:
0x0: {  	(tag) =	ssettag $0x1  }
0x1: {  	s4 =	rddreg [dreg:$0x0]  }
0x2: {  	s5 =	rddreg [dreg:$0x1]  }
0x3: {  	s1 =	rddreg [dreg:$0x2]  }
0x4: {  	s6 =	rddreg [dreg:$0x3]  }
0x5: {  	s0 =	rddreg [dreg:$0x4];
	s7 =	srdreg.scid  }
0x6: {  	s3 =	simm.s32 $0x0;
	s2 =	stileid.u32;
	s11 =	simm.s32 $0x4080  }
0x7: {  	s12 =	simm.s32 $0x8;
	s13 =	simm.s32 $0x7C80;
	s14 =	simm.s32 $0x1  }
0x8: {  	s15 =	simm.s32 $0x2;
	s16 =	simm.s32 $0x3;
	s17 =	simm.s32 $0x8080  }
0x9: {  	s18 =	simm.s32 $0x0;
	s7 =	sand.u32 $0x1, s7;
	s9 =	sshll.u32 s2, $0x1  }
0xa: {  	[smem:$0x7FF] =	sst s3;
	s8 =	ssub.s32 $0x2, s7;
	s7 =	sor.u32 s7, s9  }
0xb: {  	_ =	strace $0x80000047;
	s10 =	sshrl.u32 s8, $0x1;
	s9 =	sshll.u32 s7, $0xB  }
0xc: {  	s7 =	sshll.u32 s7, $0x4;
	s8 =	ssub.s32 s8, s10;
	s4 =	sadd.s32 s4, s9  }
0xd: {  	s5 =	sadd.s32 s5, s7;
	s6 =	sadd.s32 s6, s7;
	s9 =	simm.s32 $0x4  }
0xe: {  	s10 =	simm.s32 $0x78;
	s7 =	smax.u32 s8, $0x1;
	s8 =	simm.s32 $0x80  }
.LBB2_1:
0xf: {  	[tilespmem:s8], [sflag:$0x1] =	stream.linear.gather [hbm4b:s4+s3], $0x4000, $0x38;
	[tilespmem:$0x8100] =	vst v63  }
0x10: {  	_ = 	snop  }
0x11: {  	[tilespmem:s3], [sflag:$0x4] =	stream.linear.gather [hbm4b:s5+s3], $0x80, $0x38;
	[tilespmem:$0x8100] =	vst v63  }
0x12: {  	_ =	swait.ge [sflag:s9], $0x80  }
0x13: {  	[sflag:s9] =	ssyncset.done $0x0  }
0x14: {  	[sflag:s9] =	ssyncadd.s32 $0xFFFFFF80  }
0x15: {  	[tilespmem:s11], [sflag:$0x2] =	stream.indirect.gather [hbm4b:s1+s10], $0x80, s3, s10, $0xb8;
	[tilespmem:$0x8100] =	vst v63  }
0x16: {  	_ = 	snop  }
0x17: {  	[tilespmem:s13], [sflag:$0x3] =	stream.indirect.gather [hbm4b:s1+s12], $0x80, s10, s12, $0xb8;
	[tilespmem:$0x8100] =	vst v63  }
0x18: {  	_ =	swait.ge [sflag:s14], $0x4000  }
0x19: {  	[sflag:s14] =	ssyncset.done $0x0  }
0x1a: {  	[sflag:s14] =	ssyncadd.s32 $0xFFFFC000  }
0x1b: {  	_ =	swait.ge [sflag:s15], $0x3C00  }
0x1c: {  	[sflag:s15] =	ssyncset.done $0x0  }
0x1d: {  	s20 =	simm.s32 $0x0;
	[sflag:s15] =	ssyncadd.s32 $0xFFFFC400  }
0x1e: {  	v0 =	vld [tilespmem:s20+$0x80]  }
0x1f: {  	v1 =	vld [tilespmem:s20+$0x4080]  }
0x20: {  	v2 =	vld [tilespmem:s20+$0x90]  }
0x21: {  	v3 =	vld [tilespmem:s20+$0x4090]  }
0x22: {  	v4 =	vld [tilespmem:s20+$0xA0]  }
0x23: {  	v5 =	vld [tilespmem:s20+$0x40A0]  }
0x24: {  	v6 =	vld [tilespmem:s20+$0x40B0];
	v0 =	vsub.f32 v0, v1  }
0x25: {  	v1 =	vld [tilespmem:s20+$0xB0]  }
0x26: {  	v7 =	vld [tilespmem:s20+$0xC0];
	v2 =	vsub.f32 v2, v3;
	v0 =	vmul.f32 v0, v0  }
0x27: {  	v8 =	vld [tilespmem:s20+$0x40C0];
	v3 =	vimm.f32 $0.0e+00  }
0x28: {  	v9 =	vld [tilespmem:s20+$0xD0];
	v2 =	vmul.f32 v2, v2;
	v0 =	vadd.f32 v0, v3;
	v3 =	vsub.f32 v4, v5  }
0x29: {  	v10 =	vld [tilespmem:s20+$0x40D0]  }
0x2a: {  	v1 =	vsub.f32 v1, v6;
	v2 =	vadd.f32 v2, v0;
	v4 =	vmul.f32 v3, v3;
	v0 =	vld [tilespmem:s20+$0xE0]  }
0x2b: {  	v3 =	vld [tilespmem:s20+$0x40E0]  }
0x2c: {  	v7 =	vsub.f32 v7, v8;
	v6 =	vmul.f32 v1, v1;
	v1 =	vld [tilespmem:s20+$0xF0];
	v5 =	vadd.f32 v4, v2  }
0x2d: {  	s19 =	simm.s32 $0x80;
	v4 =	vld [tilespmem:s20+$0x40F0]  }
0x2e: {  	v2 =	vld [tilespmem:s19+$0x80];
	s20 =	simm.s32 $0x400;
	v5 =	vadd.f32 v6, v5;
	v6 =	vmul.f32 v7, v7;
	v7 =	vsub.f32 v9, v10  }
.LBB2_2:
0x2f: {  	p0 =	sne.s32 s20, $0xEE00;
	v8 =	vld [tilespmem:s19+$0x4080]  }
0x30: {  	v9 =	vld [tilespmem:s19+$0x90];
	v5 =	vadd.f32 v6, v5;
	v6 =	vmul.f32 v7, v7;
	v0 =	vsub.f32 v0, v3  }
0x31: {  	v3 =	vld [tilespmem:s19+$0x4090]  }
0x32: {  	v7 =	vld [tilespmem:s19+$0xA0];
	v5 =	vadd.f32 v6, v5;
	v0 =	vmul.f32 v0, v0;
	v1 =	vsub.f32 v1, v4  }
0x33: {  	v4 =	vld [tilespmem:s19+$0x40A0]  }
0x34: {  	v2 =	vsub.f32 v2, v8;
	v6 =	vld [tilespmem:s19+$0xB0];
	v0 =	vadd.f32 v0, v5;
	v1 =	vmul.f32 v1, v1  }
0x35: {  	v5 =	vld [tilespmem:s19+$0x40B0]  }
0x36: {  	v2 =	vmul.f32 v2, v2;
	v3 =	vsub.f32 v9, v3;
	v8 =	vld [tilespmem:s19+$0xC0];
	v0 =	vadd.f32 v1, v0  }
0x37: {  	v1 =	vld [tilespmem:s19+$0x40C0]  }
0x38: {  	v0 =	vadd.f32 v2, v0;
	v2 =	vmul.f32 v3, v3;
	v3 =	vsub.f32 v7, v4;
	v7 =	vld [tilespmem:s19+$0xD0]  }
0x39: {  	v9 =	vld [tilespmem:s19+$0x40D0]  }
.Ltmp0:
0x3a: {  	v2 =	vadd.f32 v2, v0;
	v4 =	vmul.f32 v3, v3;
	v5 =	vsub.f32 v6, v5;
	v0 =	vld [tilespmem:s19+$0xE0];
	(pc) =	sbr.rel @p0 .LBB2_2-.Ltmp0, $4  }
0x3b: {  	v3 =	vld [tilespmem:s19+$0x40E0]  }
0x3c: {  	v6 =	vadd.f32 v4, v2;
	v5 =	vmul.f32 v5, v5;
	v8 =	vsub.f32 v8, v1;
	v1 =	vld [tilespmem:s19+$0xF0]  }
0x3d: {  	v4 =	vld [tilespmem:s19+$0x40F0];
	s19 =	sshra.s32 s20, $0x2  }
0x3e: {  	s20 =	sadd.s32 $0x200, s20;
	v2 =	vld [tilespmem:s19+$0x80];
	v5 =	vadd.f32 v5, v6;
	v6 =	vmul.f32 v8, v8;
	v7 =	vsub.f32 v7, v9  }
0x3f: {  	v8 =	vld [tilespmem:s19+$0x4080]  }
0x40: {  	v9 =	vld [tilespmem:s19+$0x90]  }
0x41: {  	v10 =	vld [tilespmem:s19+$0x4090]  }
0x42: {  	v11 =	vld [tilespmem:s19+$0xA0];
	v5 =	vadd.f32 v6, v5;
	v6 =	vmul.f32 v7, v7;
	v0 =	vsub.f32 v0, v3  }
0x43: {  	v59 =	vld [tilespmem:s19+$0xE0]  }
0x44: {  	v60 =	vld [tilespmem:s19+$0x40E0];
	v5 =	vadd.f32 v6, v5;
	v0 =	vmul.f32 v0, v0;
	v1 =	vsub.f32 v1, v4  }
0x45: {  	v3 =	vld [tilespmem:s19+$0x40A0]  }
0x46: {  	v7 =	vld [tilespmem:s19+$0xB0];
	v2 =	vsub.f32 v2, v8;
	v0 =	vadd.f32 v0, v5;
	v1 =	vmul.f32 v1, v1  }
0x47: {  	v4 =	vld [tilespmem:s19+$0x40B0]  }
0x48: {  	v6 =	vld [tilespmem:s19+$0xC0];
	v9 =	vsub.f32 v9, v10;
	v2 =	vmul.f32 v2, v2;
	v0 =	vadd.f32 v1, v0  }
0x49: {  	v5 =	vld [tilespmem:s19+$0x40C0]  }
0x4a: {  	v8 =	vld [tilespmem:s19+$0xD0];
	v3 =	vsub.f32 v11, v3;
	v0 =	vadd.f32 v2, v0;
	v2 =	vmul.f32 v9, v9  }
0x4b: {  	v1 =	vld [tilespmem:s19+$0x40D0]  }
0x4c: {  	v61 =	vld [tilespmem:s19+$0xF0];
	v0 =	vadd.f32 v2, v0;
	v2 =	vmul.f32 v3, v3;
	v3 =	vsub.f32 v7, v4  }
0x4d: {  	v4 =	vld [tilespmem:s19+$0x40F0];
	_ =	swait.ge [sflag:s16], $0x400  }
0x4e: {  	[sflag:s16] =	ssyncset.done $0x0;
	v0 =	vadd.f32 v2, v0;
	v2 =	vmul.f32 v3, v3;
	v3 =	vsub.f32 v6, v5  }
0x4f: {  	s20 =	simm.s32 $0x0;
	[sflag:s16] =	ssyncadd.s32 $0xFFFFFC00  }
0x50: {  	v1 =	vsub.f32 v8, v1;
	v5 =	vld [tilespmem:s20+$0x7C80];
	v0 =	vadd.f32 v2, v0;
	v2 =	vmul.f32 v3, v3  }
0x51: {  	v3 =	vld [tilespmem:s20+$0x3C80]  }
0x52: {  	v1 =	vmul.f32 v1, v1;
	v6 =	vld [tilespmem:s20+$0x3C90];
	v0 =	vadd.f32 v2, v0;
	v2 =	vsub.f32 v59, v60  }
0x53: {  	v7 =	vld [tilespmem:s20+$0x7C90]  }
0x54: {  	v8 =	vld [tilespmem:s20+$0x7CA0];
	v0 =	vadd.f32 v1, v0;
	v1 =	vmul.f32 v2, v2;
	v2 =	vsub.f32 v61, v4  }
0x55: {  	v4 =	vld [tilespmem:s20+$0x3CA0]  }
0x56: {  	v0 =	vadd.f32 v1, v0;
	v1 =	vmul.f32 v2, v2;
	v2 =	vsub.f32 v3, v5;
	v3 =	vld [tilespmem:s20+$0x3CB0]  }
0x57: {  	v5 =	vld [tilespmem:s20+$0x7CB0]  }
0x58: {  	v0 =	vadd.f32 v1, v0;
	v1 =	vmul.f32 v2, v2;
	v2 =	vsub.f32 v6, v7;
	v6 =	vld [tilespmem:s20+$0x3CC0]  }
0x59: {  	v7 =	vld [tilespmem:s20+$0x7CC0]  }
0x5a: {  	v62 =	vld [tilespmem:s20+$0x7CD0];
	v0 =	vadd.f32 v1, v0;
	v1 =	vmul.f32 v2, v2;
	v2 =	vsub.f32 v4, v8  }
0x5b: {  	v8 =	vld [tilespmem:s20+$0x3CD0]  }
0x5c: {  	v4 =	vsub.f32 v3, v5;
	v3 =	vld [tilespmem:s20+$0x7CE0];
	v1 =	vadd.f32 v1, v0;
	v2 =	vmul.f32 v2, v2  }
0x5d: {  	v0 =	vld [tilespmem:s20+$0x3CE0]  }
0x5e: {  	v63 =	vmul.f32 v4, v4;
	v6 =	vsub.f32 v6, v7;
	v4 =	vld [tilespmem:s20+$0x7CF0];
	v5 =	vadd.f32 v2, v1  }
0x5f: {  	s19 =	simm.s32 $0x80;
	v1 =	vld [tilespmem:s20+$0x3CF0]  }
0x60: {  	v2 =	vld [tilespmem:s19+$0x3C80];
	s20 =	simm.s32 $0x400;
	v6 =	vmul.f32 v6, v6;
	v7 =	vsub.f32 v8, v62;
	v5 =	vadd.f32 v63, v5  }
.LBB2_4:
0x61: {  	p0 =	sne.s32 s20, $0xE00;
	v8 =	vld [tilespmem:s19+$0x7C80]  }
0x62: {  	v9 =	vld [tilespmem:s19+$0x3C90];
	v5 =	vadd.f32 v6, v5;
	v6 =	vmul.f32 v7, v7;
	v0 =	vsub.f32 v0, v3  }
0x63: {  	v3 =	vld [tilespmem:s19+$0x7C90]  }
0x64: {  	v7 =	vld [tilespmem:s19+$0x3CA0];
	v5 =	vadd.f32 v6, v5;
	v0 =	vmul.f32 v0, v0;
	v1 =	vsub.f32 v1, v4  }
0x65: {  	v4 =	vld [tilespmem:s19+$0x7CA0]  }
0x66: {  	v2 =	vsub.f32 v2, v8;
	v6 =	vld [tilespmem:s19+$0x3CB0];
	v0 =	vadd.f32 v0, v5;
	v1 =	vmul.f32 v1, v1  }
0x67: {  	v5 =	vld [tilespmem:s19+$0x7CB0]  }
0x68: {  	v2 =	vmul.f32 v2, v2;
	v3 =	vsub.f32 v9, v3;
	v8 =	vld [tilespmem:s19+$0x3CC0];
	v0 =	vadd.f32 v1, v0  }
0x69: {  	v1 =	vld [tilespmem:s19+$0x7CC0]  }
0x6a: {  	v0 =	vadd.f32 v2, v0;
	v2 =	vmul.f32 v3, v3;
	v3 =	vsub.f32 v7, v4;
	v7 =	vld [tilespmem:s19+$0x3CD0]  }
0x6b: {  	v9 =	vld [tilespmem:s19+$0x7CD0]  }
.Ltmp1:
0x6c: {  	v2 =	vadd.f32 v2, v0;
	v4 =	vmul.f32 v3, v3;
	v5 =	vsub.f32 v6, v5;
	v0 =	vld [tilespmem:s19+$0x3CE0];
	(pc) =	sbr.rel @p0 .LBB2_4-.Ltmp1, $4  }
0x6d: {  	v3 =	vld [tilespmem:s19+$0x7CE0]  }
0x6e: {  	v6 =	vadd.f32 v4, v2;
	v5 =	vmul.f32 v5, v5;
	v8 =	vsub.f32 v8, v1;
	v1 =	vld [tilespmem:s19+$0x3CF0]  }
0x6f: {  	v4 =	vld [tilespmem:s19+$0x7CF0];
	s19 =	sshra.s32 s20, $0x2  }
0x70: {  	s20 =	sadd.s32 $0x200, s20;
	v2 =	vld [tilespmem:s19+$0x3C80];
	v5 =	vadd.f32 v5, v6;
	v6 =	vmul.f32 v8, v8;
	v7 =	vsub.f32 v7, v9  }
0x71: {  	v8 =	vld [tilespmem:s19+$0x7C80]  }
0x72: {  	v9 =	vld [tilespmem:s19+$0x3C90];
	v5 =	vadd.f32 v6, v5;
	v39 =	vmul.f32 v7, v7;
	v0 =	vsub.f32 v0, v3  }
0x73: {  	v40 =	vld [tilespmem:s19+$0x7C90]  }
0x74: {  	v41 =	vld [tilespmem:s19+$0x3CA0];
	v5 =	vadd.f32 v39, v5;
	v0 =	vmul.f32 v0, v0;
	v1 =	vsub.f32 v1, v4  }
0x75: {  	v42 =	vld [tilespmem:s19+$0x7CA0]  }
0x76: {  	v43 =	vld [tilespmem:s19+$0x3CB0];
	v2 =	vsub.f32 v2, v8;
	v0 =	vadd.f32 v0, v5;
	v1 =	vmul.f32 v1, v1  }
0x77: {  	v44 =	vld [tilespmem:s19+$0x7CB0]  }
0x78: {  	v45 =	vld [tilespmem:s19+$0x3CC0];
	v3 =	vsub.f32 v9, v40;
	v2 =	vmul.f32 v2, v2;
	v0 =	vadd.f32 v1, v0  }
0x79: {  	v46 =	vld [tilespmem:s19+$0x7CC0]  }
0x7a: {  	v49 =	vld [tilespmem:s19+$0x3CD0];
	v48 =	vsub.f32 v41, v42;
	v47 =	vmul.f32 v3, v3;
	v0 =	vadd.f32 v2, v0  }
0x7b: {  	v50 =	vld [tilespmem:s19+$0x7CD0]  }
0x7c: {  	v53 =	vld [tilespmem:s19+$0x3CE0];
	v52 =	vsub.f32 v43, v44;
	v51 =	vmul.f32 v48, v48;
	v0 =	vadd.f32 v47, v0  }
0x7d: {  	v54 =	vld [tilespmem:s19+$0x7CE0]  }
0x7e: {  	v56 =	vld [tilespmem:s19+$0x3CF0];
	v55 =	vmul.f32 v52, v52;
	v1 =	vsub.f32 v45, v46;
	v0 =	vadd.f32 v51, v0  }
0x7f: {  	v57 =	vld [tilespmem:s19+$0x7CF0]  }
0x80: {  	v58 =	vsub.f32 v49, v50;
	v1 =	vmul.f32 v1, v1;
	v0 =	vadd.f32 v55, v0;
	_ =	sdelay $0x1  }
0x81: {  	v60 =	vsub.f32 v53, v54;
	v59 =	vmul.f32 v58, v58;
	v0 =	vadd.f32 v1, v0;
	_ =	sdelay $0x1  }
0x82: {  	v62 =	vsub.f32 v56, v57;
	v61 =	vmul.f32 v60, v60;
	v0 =	vadd.f32 v59, v0;
	_ =	sdelay $0x1  }
0x83: {  	v63 =	vmul.f32 v62, v62;
	v0 =	vadd.f32 v61, v0;
	_ =	sdelay $0x1  }
0x84: {  	s18 =	sadd.s32 $0x1, s18;
	v0 =	vadd.f32 v63, v0  }
0x85: {  	p0 =	sne.s32 s18, s7  }
.Ltmp2:
0x86: {  	[tilespmem:$0x8080] =	vst v0;
	(pc) =	sbr.rel @p0 .LBB2_1-.Ltmp2, $4  }
0x87: {  	[hbm4b:s6+s3] =	stream.linear.scatter [tilespmem:s17], [sflag:$0x4], $0x80, $0x38;
	[tilespmem:$0x8100] =	vst v63  }
0x88: {  	_ =	swait.ge [sflag:s9], $0x80  }
0x89: {  	[sflag:s9] =	ssyncset.done $0x0  }
0x8a: {  	[sflag:s9] =	ssyncadd.s32 $0xFFFFFF80  }
0x8b: {  	_ =	sfence.sel $0x180000  }
0x8c: {  	[bflag:$0x0] =	sbarrier.arrive $0xFFFF  }
0x8d: {  	p0 =	sne.s32 s2, $0x0;
	_ =	strace $0x90000047  }
0x8e: {  	s0 =	sadd.s32 @!p0 $0x100000, s0;
	[bflag:$0x2] =	sbarrier.arrive $0xFFFF  }
0x8f: {  	[sflag:s0] =	ssyncadd.tile.s32 @!p0 $0x1;
	_ =	shalt  }
.Lfunc_end2:
_tile_overlayer_lowered:
.L_overlay_start_2:
0x90: {  	(tag) =	ssettag $0x2  }
0x91: {  	s0 =	rddreg [dreg:$0x0];
	s2 =	stileid.u32  }
0x92: {  	s1 =	rddreg [dreg:$0x1];
	p0 =	sne.s32 s2, $0x0  }
0x93: {  	s3 =	rddreg [dreg:$0x2];
	[bflag:$0x3] =	sbarrier.arrive $0xFFFF;
	s2 =	simm.s32 @!p0 $0x1C04  }
0x94: {  	[timem:s3], [sflag:s2] =	dma.local @!p0 [hbm:s0], s1  }
0x95: {  	s0 =	simm.s32 @!p0 $0x4  }
0x96: {  	_ =	swait.ge @!p0 [sflag:s0], s1  }
0x97: {  	s1 =	ssub.s32 @!p0 $0x0, s1;
	[sflag:s0] =	ssyncset.done @!p0 $0x0  }
0x98: {  	[sflag:s0] =	ssyncadd.s32 @!p0 s1  }
0x99: {  	[bflag:$0x3] =	sbarrier.arrive $0xFFFF  }
0x9a: {  	_ =	shalt  }

</sc_bundles>
